<compile_context>
chip_gen: v7x
topology: tpu7x:2x2x1
jax: 0.10.2.dev20260603
libtpu: 0.0.44.dev20260713+nightly
codegen_flags: <defaults>
</compile_context>

<pallas_src>
import functools

import jax
import jax.numpy as jnp
from jax import lax
from jax.experimental import pallas as pl
from jax.experimental.pallas import tpu as pltpu
from jax.experimental.pallas import tpu_sc as plsc

MAXLEN = 200
EMBED = 64
WIDE = 128
BATCH = 1024
SEQ = 200

NC, NS, LANES = 2, 16, 16
NW = NC * NS
ROWS = BATCH * SEQ
RPW = ROWS // NW
CHUNK = 128
NCHUNK = RPW // CHUNK


def _sc_embed(x2, tt_pad, pos_table):
    mesh = plsc.VectorSubcoreMesh(core_axis_name="c", subcore_axis_name="s")

    @functools.partial(
        pl.kernel,
        out_type=jax.ShapeDtypeStruct((ROWS, WIDE), jnp.float32),
        mesh=mesh,
        scratch_types=[
            pltpu.VMEM((CHUNK,), jnp.int32),
            pltpu.VMEM((CHUNK, WIDE), jnp.float32),
            pltpu.VMEM((MAXLEN, EMBED), jnp.float32),
            pltpu.SemaphoreType.DMA,
        ],
    )
    def k(x_hbm, tab_hbm, pos_hbm, out_hbm, idx_v, rows_v, pos_v, sem):
        wid = lax.axis_index("s") * NC + lax.axis_index("c")
        pltpu.sync_copy(pos_hbm, pos_v)

        @pl.loop(0, NCHUNK)
        def _(kc):
            g = wid * NCHUNK + kc
            base = g * CHUNK
            pltpu.sync_copy(x_hbm.at[g], idx_v)
            pltpu.async_copy(tab_hbm.at[idx_v], rows_v, sem).wait()

            p0 = lax.rem(base, MAXLEN)
            seg1 = jnp.minimum(CHUNK, MAXLEN - p0)

            @pl.loop(0, seg1)
            def _(r):
                for c in range(0, EMBED, LANES):
                    rows_v[r, pl.ds(c, LANES)] = (
                        rows_v[r, pl.ds(c, LANES)] + pos_v[p0 + r, pl.ds(c, LANES)]
                    )

            @pl.loop(seg1, CHUNK)
            def _(r):
                for c in range(0, EMBED, LANES):
                    rows_v[r, pl.ds(c, LANES)] = (
                        rows_v[r, pl.ds(c, LANES)]
                        + pos_v[p0 + r - MAXLEN, pl.ds(c, LANES)]
                    )

            pltpu.sync_copy(rows_v, out_hbm.at[pl.ds(base, CHUNK)])

    return k(x2, tt_pad, pos_table)


def kernel(x, token_table, pos_table):
    x2 = x.reshape(ROWS // CHUNK, CHUNK).astype(jnp.int32)
    tt_pad = jnp.pad(token_table, ((0, 0), (0, WIDE - EMBED)))
    out = _sc_embed(x2, tt_pad, pos_table)
    return out[:, :EMBED].reshape(BATCH, SEQ, EMBED)

# --- scband reference (transcript-rebuilt; emitter-appended) ---
"""Pipeline reference for scband-token-and-position-embedding-20590073217192 (READ-ONLY COPY).

The authoritative reference and input builder live on the scoring server;
editing this copy changes nothing except your own understanding.
"""

import jax, jax.numpy as jnp
import numpy as np

VOCAB = 1000000
MAXLEN = 200
EMBED = 64
BATCH = 1024
SEQ = 200

def setup_inputs(seed: int = 0) -> dict:
    key = jax.random.key(seed)
    k1, k2, k3 = jax.random.split(key, 3)
    x = jax.random.randint(k1, (BATCH, SEQ), 0, VOCAB, dtype=jnp.int64 if jax.config.read('jax_enable_x64') else jnp.int32)
    token_table = jax.random.normal(k2, (VOCAB, EMBED), dtype=jnp.float32) * 0.02
    pos_table = jax.random.normal(k3, (MAXLEN, EMBED), dtype=jnp.float32) * 0.02
    return {"x": x, "token_table": token_table, "pos_table": pos_table}

def reference(x, token_table, pos_table):
    seq_len = x.shape[1]
    positions = jnp.arange(seq_len)[None, :]
    tok = jnp.take(token_table, x, axis=0)
    pos = jnp.take(pos_table, positions, axis=0)
    return tok + pos

if __name__ == "__main__":
    import jax
    _d = setup_inputs()
    print(jax.jit(kernel)(*tuple(_d.values())))

</pallas_src>

<mosaic_0001>
#map = affine_map<(d0, d1) -> (0, 0)>
module attributes {stable_mosaic.version = 14 : i64} {
  func.func @k(%arg0: i32, %arg1: i32, %arg2: memref<1600x128xi32, #tpu.memory_space<hbm>>, %arg3: memref<1000000x128xf32, #tpu.memory_space<hbm>>, %arg4: memref<200x64xf32, #tpu.memory_space<hbm>>, %arg5: memref<204800x128xf32, #tpu.memory_space<hbm>>, %arg6: memref<128xi32, #tpu.memory_space<vmem>>, %arg7: memref<128x128xf32, #tpu.memory_space<vmem>>, %arg8: memref<200x64xf32, #tpu.memory_space<vmem>>, %arg9: memref<!tpu.dma_semaphore, #tpu.memory_space<semaphore_mem>>) attributes {dimension_semantics = [#tpu.dimension_semantics<core_parallel>, #tpu.dimension_semantics<subcore_parallel>], iteration_bounds = array<i64: 2, 16>, scalar_prefetch = 0 : i64, scratch_operands = 4 : i64, tpu.core_type = #tpu.core_type<sc_vector_subcore>, window_params = [{transform_indices = #map}, {transform_indices = #map}, {transform_indices = #map}, {transform_indices = #map}]} {
    %mul3A = arith.constant 2 : i32
    %mul3A_0 = arith.muli %arg1, %mul3A : i32
    %add3A = arith.addi %mul3A_0, %arg0 : i32
    "tpu.region"() ({
      %run_scoped3A = tpu.sem_alloc : memref<!tpu.dma_semaphore, #tpu.memory_space<semaphore_mem>>
      tpu.enqueue_dma source(%arg4 : memref<200x64xf32, #tpu.memory_space<hbm>>) target(%arg8 : memref<200x64xf32, #tpu.memory_space<vmem>>) target_semaphore(%run_scoped3A : memref<!tpu.dma_semaphore, #tpu.memory_space<semaphore_mem>>)
      tpu.wait_dma2 semaphore(%run_scoped3A : memref<!tpu.dma_semaphore, #tpu.memory_space<semaphore_mem>>) src(%arg4 : memref<200x64xf32, #tpu.memory_space<hbm>>) dst(%arg8 : memref<200x64xf32, #tpu.memory_space<vmem>>)
      tpu.yield
    }) : () -> ()
    %scan3A = arith.constant 0 : i32
    %scan3A_1 = arith.constant 50 : i32
    %scan3A_2 = arith.addi %scan3A, %scan3A_1 : i32
    %scan3A_3 = arith.constant 1 : i32
    scf.for %scan3A_5 = %scan3A to %scan3A_2 step %scan3A_3  : i32 {
      %mul3A_6 = arith.constant 1 : i32
      %mul3A_7 = arith.muli %scan3A_5, %mul3A_6 : i32
      %add3A_8 = arith.constant 0 : i32
      %add3A_9 = arith.addi %add3A_8, %mul3A_7 : i32
      %mul3A_10 = arith.constant 50 : i32
      %mul3A_11 = arith.muli %add3A, %mul3A_10 : i32
      %add3A_12 = arith.addi %mul3A_11, %add3A_9 : i32
      %mul3A_13 = arith.constant 128 : i32
      %mul3A_14 = arith.muli %add3A_12, %mul3A_13 : i32
      "tpu.region"() ({
        %run_scoped3A = tpu.sem_alloc : memref<!tpu.dma_semaphore, #tpu.memory_space<semaphore_mem>>
        %dma_start3A_57 = arith.constant 0 : i32
        %dma_start3A_58 = tpu.memref_slice %arg2[%add3A_12, %dma_start3A_57] : memref<1600x128xi32, #tpu.memory_space<hbm>> -> memref<1x128xi32, #tpu.memory_space<hbm>>
        %dma_start3A_59 = tpu.memref_squeeze %dma_start3A_58 : memref<1x128xi32, #tpu.memory_space<hbm>> -> memref<128xi32, #tpu.memory_space<hbm>>
        %dma_start3A_60 = arith.constant 0 : i32
        %dma_start3A_61 = tpu.memref_slice %arg2[%add3A_12, %dma_start3A_60] : memref<1600x128xi32, #tpu.memory_space<hbm>> -> memref<1x128xi32, #tpu.memory_space<hbm>>
        %dma_start3A_62 = tpu.memref_squeeze %dma_start3A_61 : memref<1x128xi32, #tpu.memory_space<hbm>> -> memref<128xi32, #tpu.memory_space<hbm>>
        tpu.enqueue_dma source(%dma_start3A_62 : memref<128xi32, #tpu.memory_space<hbm>>) target(%arg6 : memref<128xi32, #tpu.memory_space<vmem>>) target_semaphore(%run_scoped3A : memref<!tpu.dma_semaphore, #tpu.memory_space<semaphore_mem>>)
        %dma_wait3A_63 = arith.constant 0 : i32
        %dma_wait3A_64 = tpu.memref_slice %arg2[%add3A_12, %dma_wait3A_63] : memref<1600x128xi32, #tpu.memory_space<hbm>> -> memref<1x128xi32, #tpu.memory_space<hbm>>
        %dma_wait3A_65 = tpu.memref_squeeze %dma_wait3A_64 : memref<1x128xi32, #tpu.memory_space<hbm>> -> memref<128xi32, #tpu.memory_space<hbm>>
        %dma_wait3A_66 = arith.constant 0 : i32
        %dma_wait3A_67 = tpu.memref_slice %arg2[%add3A_12, %dma_wait3A_66] : memref<1600x128xi32, #tpu.memory_space<hbm>> -> memref<1x128xi32, #tpu.memory_space<hbm>>
        %dma_wait3A_68 = tpu.memref_squeeze %dma_wait3A_67 : memref<1x128xi32, #tpu.memory_space<hbm>> -> memref<128xi32, #tpu.memory_space<hbm>>
        tpu.wait_dma2 semaphore(%run_scoped3A : memref<!tpu.dma_semaphore, #tpu.memory_space<semaphore_mem>>) src(%dma_wait3A_68 : memref<128xi32, #tpu.memory_space<hbm>>) dst(%arg6 : memref<128xi32, #tpu.memory_space<vmem>>)
        tpu.yield
      }) : () -> ()
      %dma_start3A = arith.constant 0 : i32
      %dma_start3A_15 = arith.constant 0 : i32
      %dma_start3A_16 = tpu.memref_slice %arg3[%dma_start3A, %dma_start3A_15] : memref<1000000x128xf32, #tpu.memory_space<hbm>> -> memref<1000000x128xf32, #tpu.memory_space<hbm>>
      tpu.enqueue_indirect_dma source(%dma_start3A_16 : memref<1000000x128xf32, #tpu.memory_space<hbm>>) target(%arg7 : memref<128x128xf32, #tpu.memory_space<vmem>>) offsets(%arg6 : memref<128xi32, #tpu.memory_space<vmem>>) semaphore(%arg9 : memref<!tpu.dma_semaphore, #tpu.memory_space<semaphore_mem>>)
      %dma_wait3A = arith.constant 0 : i32
      %dma_wait3A_17 = arith.constant 0 : i32
      %dma_wait3A_18 = tpu.memref_slice %arg3[%dma_wait3A, %dma_wait3A_17] : memref<1000000x128xf32, #tpu.memory_space<hbm>> -> memref<1000000x128xf32, #tpu.memory_space<hbm>>
      tpu.wait_indirect_dma semaphore(%arg9 : memref<!tpu.dma_semaphore, #tpu.memory_space<semaphore_mem>>) src(%dma_wait3A_18 : memref<1000000x128xf32, #tpu.memory_space<hbm>>) dst(%arg7 : memref<128x128xf32, #tpu.memory_space<vmem>>)
      %rem3A = arith.constant 200 : i32
      %rem3A_19 = arith.remsi %mul3A_14, %rem3A : i32
      %sub3A = arith.constant 200 : i32
      %sub3A_20 = arith.subi %sub3A, %rem3A_19 : i32
      %min3A = arith.constant 128 : i32
      %min3A_21 = arith.minsi %min3A, %sub3A_20 : i32
      %sub3A_22 = arith.constant 0 : i32
      %sub3A_23 = arith.subi %min3A_21, %sub3A_22 : i32
      %sub3A_24 = arith.constant 1 : i32
      %sub3A_25 = arith.constant 1 : i32
      %sub3A_26 = arith.subi %sub3A_24, %sub3A_25 : i32
      %add3A_27 = arith.addi %sub3A_23, %sub3A_26 : i32
      %div3A = arith.constant 1 : i32
      %div3A_28 = arith.divsi %add3A_27, %div3A : i32
      %while3A = arith.constant 1 : i32
      %while3A_29 = arith.constant 0 : i32
      %while3A_30 = arith.constant 0 : i32
      %while3A_31 = arith.subi %div3A_28, %while3A_30 : i32
      %while3A_32 = arith.addi %while3A_30, %while3A_31 : i32
      %while3A_33 = arith.constant 1 : i32
      %while3A_34 = arith.divsi %while3A_31, %while3A_33 : i32
      %while3A_35 = arith.muli %while3A_34, %while3A_33 : i32
      %while3A_36 = arith.addi %while3A_30, %while3A_35 : i32
      %while3A_37 = arith.constant 1 : i32
      scf.for %while3A_57 = %while3A_30 to %while3A_36 step %while3A_37  : i32 {
        %mul3A_58 = arith.muli %while3A_57, %while3A : i32
        %add3A_59 = arith.addi %while3A_29, %mul3A_58 : i32
        %get3A = arith.index_cast %add3A_59 : i32 to index
        %get3A_60 = arith.constant 0 : index
        %get3A_61 = tpu.vector_load %arg7[%get3A, %get3A_60] {strides = array<i32>} : memref<128x128xf32, #tpu.memory_space<vmem>>, vector<1x16xf32>,
        %get3A_62 = vector.shape_cast %get3A_61 : vector<1x16xf32> to vector<16xf32>
        %add3A_63 = arith.addi %rem3A_19, %add3A_59 : i32
        %get3A_64 = arith.index_cast %add3A_63 : i32 to index
        %get3A_65 = arith.constant 0 : index
        %get3A_66 = tpu.vector_load %arg8[%get3A_64, %get3A_65] {strides = array<i32>} : memref<200x64xf32, #tpu.memory_space<vmem>>, vector<1x16xf32>,
        %get3A_67 = vector.shape_cast %get3A_66 : vector<1x16xf32> to vector<16xf32>
        %add3A_68 = arith.addf %get3A_62, %get3A_67 : vector<16xf32>
        %swap3A = arith.index_cast %add3A_59 : i32 to index
        %swap3A_69 = arith.constant 0 : index
        %swap3A_70 = tpu.vector_load %arg7[%swap3A, %swap3A_69] {strides = array<i32>} : memref<128x128xf32, #tpu.memory_space<vmem>>, vector<1x16xf32>,
        %swap3A_71 = vector.shape_cast %swap3A_70 : vector<1x16xf32> to vector<16xf32>
        %swap3A_72 = vector.shape_cast %add3A_68 : vector<16xf32> to vector<1x16xf32>
        tpu.vector_store %arg7[%swap3A, %swap3A_69], %swap3A_72 {strides = array<i32>} : memref<128x128xf32, #tpu.memory_space<vmem>>, vector<1x16xf32>,
        %get3A_73 = arith.index_cast %add3A_59 : i32 to index
        %get3A_74 = arith.constant 16 : index
        %get3A_75 = tpu.vector_load %arg7[%get3A_73, %get3A_74] {strides = array<i32>} : memref<128x128xf32, #tpu.memory_space<vmem>>, vector<1x16xf32>,
        %get3A_76 = vector.shape_cast %get3A_75 : vector<1x16xf32> to vector<16xf32>
        %add3A_77 = arith.addi %rem3A_19, %add3A_59 : i32
        %get3A_78 = arith.index_cast %add3A_77 : i32 to index
        %get3A_79 = arith.constant 16 : index
        %get3A_80 = tpu.vector_load %arg8[%get3A_78, %get3A_79] {strides = array<i32>} : memref<200x64xf32, #tpu.memory_space<vmem>>, vector<1x16xf32>,
        %get3A_81 = vector.shape_cast %get3A_80 : vector<1x16xf32> to vector<16xf32>
        %add3A_82 = arith.addf %get3A_76, %get3A_81 : vector<16xf32>
        %swap3A_83 = arith.index_cast %add3A_59 : i32 to index
        %swap3A_84 = arith.constant 16 : index
        %swap3A_85 = tpu.vector_load %arg7[%swap3A_83, %swap3A_84] {strides = array<i32>} : memref<128x128xf32, #tpu.memory_space<vmem>>, vector<1x16xf32>,
        %swap3A_86 = vector.shape_cast %swap3A_85 : vector<1x16xf32> to vector<16xf32>
        %swap3A_87 = vector.shape_cast %add3A_82 : vector<16xf32> to vector<1x16xf32>
        tpu.vector_store %arg7[%swap3A_83, %swap3A_84], %swap3A_87 {strides = array<i32>} : memref<128x128xf32, #tpu.memory_space<vmem>>, vector<1x16xf32>,
        %get3A_88 = arith.index_cast %add3A_59 : i32 to index
        %get3A_89 = arith.constant 32 : index
        %get3A_90 = tpu.vector_load %arg7[%get3A_88, %get3A_89] {strides = array<i32>} : memref<128x128xf32, #tpu.memory_space<vmem>>, vector<1x16xf32>,
        %get3A_91 = vector.shape_cast %get3A_90 : vector<1x16xf32> to vector<16xf32>
        %add3A_92 = arith.addi %rem3A_19, %add3A_59 : i32
        %get3A_93 = arith.index_cast %add3A_92 : i32 to index
        %get3A_94 = arith.constant 32 : index
        %get3A_95 = tpu.vector_load %arg8[%get3A_93, %get3A_94] {strides = array<i32>} : memref<200x64xf32, #tpu.memory_space<vmem>>, vector<1x16xf32>,
        %get3A_96 = vector.shape_cast %get3A_95 : vector<1x16xf32> to vector<16xf32>
        %add3A_97 = arith.addf %get3A_91, %get3A_96 : vector<16xf32>
        %swap3A_98 = arith.index_cast %add3A_59 : i32 to index
        %swap3A_99 = arith.constant 32 : index
        %swap3A_100 = tpu.vector_load %arg7[%swap3A_98, %swap3A_99] {strides = array<i32>} : memref<128x128xf32, #tpu.memory_space<vmem>>, vector<1x16xf32>,
        %swap3A_101 = vector.shape_cast %swap3A_100 : vector<1x16xf32> to vector<16xf32>
        %swap3A_102 = vector.shape_cast %add3A_97 : vector<16xf32> to vector<1x16xf32>
        tpu.vector_store %arg7[%swap3A_98, %swap3A_99], %swap3A_102 {strides = array<i32>} : memref<128x128xf32, #tpu.memory_space<vmem>>, vector<1x16xf32>,
        %get3A_103 = arith.index_cast %add3A_59 : i32 to index
        %get3A_104 = arith.constant 48 : index
        %get3A_105 = tpu.vector_load %arg7[%get3A_103, %get3A_104] {strides = array<i32>} : memref<128x128xf32, #tpu.memory_space<vmem>>, vector<1x16xf32>,
        %get3A_106 = vector.shape_cast %get3A_105 : vector<1x16xf32> to vector<16xf32>
        %add3A_107 = arith.addi %rem3A_19, %add3A_59 : i32
        %get3A_108 = arith.index_cast %add3A_107 : i32 to index
        %get3A_109 = arith.constant 48 : index
        %get3A_110 = tpu.vector_load %arg8[%get3A_108, %get3A_109] {strides = array<i32>} : memref<200x64xf32, #tpu.memory_space<vmem>>, vector<1x16xf32>,
        %get3A_111 = vector.shape_cast %get3A_110 : vector<1x16xf32> to vector<16xf32>
        %add3A_112 = arith.addf %get3A_106, %get3A_111 : vector<16xf32>
        %swap3A_113 = arith.index_cast %add3A_59 : i32 to index
        %swap3A_114 = arith.constant 48 : index
        %swap3A_115 = tpu.vector_load %arg7[%swap3A_113, %swap3A_114] {strides = array<i32>} : memref<128x128xf32, #tpu.memory_space<vmem>>, vector<1x16xf32>,
        %swap3A_116 = vector.shape_cast %swap3A_115 : vector<1x16xf32> to vector<16xf32>
        %swap3A_117 = vector.shape_cast %add3A_112 : vector<16xf32> to vector<1x16xf32>
        tpu.vector_store %arg7[%swap3A_113, %swap3A_114], %swap3A_117 {strides = array<i32>} : memref<128x128xf32, #tpu.memory_space<vmem>>, vector<1x16xf32>,
      }
      %while3A_38 = arith.constant 1 : i32
      scf.for %while3A_57 = %while3A_36 to %while3A_32 step %while3A_38  : i32 {
        %mul3A_58 = arith.muli %while3A_57, %while3A : i32
        %add3A_59 = arith.addi %while3A_29, %mul3A_58 : i32
        %get3A = arith.index_cast %add3A_59 : i32 to index
        %get3A_60 = arith.constant 0 : index
        %get3A_61 = tpu.vector_load %arg7[%get3A, %get3A_60] {strides = array<i32>} : memref<128x128xf32, #tpu.memory_space<vmem>>, vector<1x16xf32>,
        %get3A_62 = vector.shape_cast %get3A_61 : vector<1x16xf32> to vector<16xf32>
        %add3A_63 = arith.addi %rem3A_19, %add3A_59 : i32
        %get3A_64 = arith.index_cast %add3A_63 : i32 to index
        %get3A_65 = arith.constant 0 : index
        %get3A_66 = tpu.vector_load %arg8[%get3A_64, %get3A_65] {strides = array<i32>} : memref<200x64xf32, #tpu.memory_space<vmem>>, vector<1x16xf32>,
        %get3A_67 = vector.shape_cast %get3A_66 : vector<1x16xf32> to vector<16xf32>
        %add3A_68 = arith.addf %get3A_62, %get3A_67 : vector<16xf32>
        %swap3A = arith.index_cast %add3A_59 : i32 to index
        %swap3A_69 = arith.constant 0 : index
        %swap3A_70 = tpu.vector_load %arg7[%swap3A, %swap3A_69] {strides = array<i32>} : memref<128x128xf32, #tpu.memory_space<vmem>>, vector<1x16xf32>,
        %swap3A_71 = vector.shape_cast %swap3A_70 : vector<1x16xf32> to vector<16xf32>
        %swap3A_72 = vector.shape_cast %add3A_68 : vector<16xf32> to vector<1x16xf32>
        tpu.vector_store %arg7[%swap3A, %swap3A_69], %swap3A_72 {strides = array<i32>} : memref<128x128xf32, #tpu.memory_space<vmem>>, vector<1x16xf32>,
        %get3A_73 = arith.index_cast %add3A_59 : i32 to index
        %get3A_74 = arith.constant 16 : index
        %get3A_75 = tpu.vector_load %arg7[%get3A_73, %get3A_74] {strides = array<i32>} : memref<128x128xf32, #tpu.memory_space<vmem>>, vector<1x16xf32>,
        %get3A_76 = vector.shape_cast %get3A_75 : vector<1x16xf32> to vector<16xf32>
        %add3A_77 = arith.addi %rem3A_19, %add3A_59 : i32
        %get3A_78 = arith.index_cast %add3A_77 : i32 to index
        %get3A_79 = arith.constant 16 : index
        %get3A_80 = tpu.vector_load %arg8[%get3A_78, %get3A_79] {strides = array<i32>} : memref<200x64xf32, #tpu.memory_space<vmem>>, vector<1x16xf32>,
        %get3A_81 = vector.shape_cast %get3A_80 : vector<1x16xf32> to vector<16xf32>
        %add3A_82 = arith.addf %get3A_76, %get3A_81 : vector<16xf32>
        %swap3A_83 = arith.index_cast %add3A_59 : i32 to index
        %swap3A_84 = arith.constant 16 : index
        %swap3A_85 = tpu.vector_load %arg7[%swap3A_83, %swap3A_84] {strides = array<i32>} : memref<128x128xf32, #tpu.memory_space<vmem>>, vector<1x16xf32>,
        %swap3A_86 = vector.shape_cast %swap3A_85 : vector<1x16xf32> to vector<16xf32>
        %swap3A_87 = vector.shape_cast %add3A_82 : vector<16xf32> to vector<1x16xf32>
        tpu.vector_store %arg7[%swap3A_83, %swap3A_84], %swap3A_87 {strides = array<i32>} : memref<128x128xf32, #tpu.memory_space<vmem>>, vector<1x16xf32>,
        %get3A_88 = arith.index_cast %add3A_59 : i32 to index
        %get3A_89 = arith.constant 32 : index
        %get3A_90 = tpu.vector_load %arg7[%get3A_88, %get3A_89] {strides = array<i32>} : memref<128x128xf32, #tpu.memory_space<vmem>>, vector<1x16xf32>,
        %get3A_91 = vector.shape_cast %get3A_90 : vector<1x16xf32> to vector<16xf32>
        %add3A_92 = arith.addi %rem3A_19, %add3A_59 : i32
        %get3A_93 = arith.index_cast %add3A_92 : i32 to index
        %get3A_94 = arith.constant 32 : index
        %get3A_95 = tpu.vector_load %arg8[%get3A_93, %get3A_94] {strides = array<i32>} : memref<200x64xf32, #tpu.memory_space<vmem>>, vector<1x16xf32>,
        %get3A_96 = vector.shape_cast %get3A_95 : vector<1x16xf32> to vector<16xf32>
        %add3A_97 = arith.addf %get3A_91, %get3A_96 : vector<16xf32>
        %swap3A_98 = arith.index_cast %add3A_59 : i32 to index
        %swap3A_99 = arith.constant 32 : index
        %swap3A_100 = tpu.vector_load %arg7[%swap3A_98, %swap3A_99] {strides = array<i32>} : memref<128x128xf32, #tpu.memory_space<vmem>>, vector<1x16xf32>,
        %swap3A_101 = vector.shape_cast %swap3A_100 : vector<1x16xf32> to vector<16xf32>
        %swap3A_102 = vector.shape_cast %add3A_97 : vector<16xf32> to vector<1x16xf32>
        tpu.vector_store %arg7[%swap3A_98, %swap3A_99], %swap3A_102 {strides = array<i32>} : memref<128x128xf32, #tpu.memory_space<vmem>>, vector<1x16xf32>,
        %get3A_103 = arith.index_cast %add3A_59 : i32 to index
        %get3A_104 = arith.constant 48 : index
        %get3A_105 = tpu.vector_load %arg7[%get3A_103, %get3A_104] {strides = array<i32>} : memref<128x128xf32, #tpu.memory_space<vmem>>, vector<1x16xf32>,
        %get3A_106 = vector.shape_cast %get3A_105 : vector<1x16xf32> to vector<16xf32>
        %add3A_107 = arith.addi %rem3A_19, %add3A_59 : i32
        %get3A_108 = arith.index_cast %add3A_107 : i32 to index
        %get3A_109 = arith.constant 48 : index
        %get3A_110 = tpu.vector_load %arg8[%get3A_108, %get3A_109] {strides = array<i32>} : memref<200x64xf32, #tpu.memory_space<vmem>>, vector<1x16xf32>,
        %get3A_111 = vector.shape_cast %get3A_110 : vector<1x16xf32> to vector<16xf32>
        %add3A_112 = arith.addf %get3A_106, %get3A_111 : vector<16xf32>
        %swap3A_113 = arith.index_cast %add3A_59 : i32 to index
        %swap3A_114 = arith.constant 48 : index
        %swap3A_115 = tpu.vector_load %arg7[%swap3A_113, %swap3A_114] {strides = array<i32>} : memref<128x128xf32, #tpu.memory_space<vmem>>, vector<1x16xf32>,
        %swap3A_116 = vector.shape_cast %swap3A_115 : vector<1x16xf32> to vector<16xf32>
        %swap3A_117 = vector.shape_cast %add3A_112 : vector<16xf32> to vector<1x16xf32>
        tpu.vector_store %arg7[%swap3A_113, %swap3A_114], %swap3A_117 {strides = array<i32>} : memref<128x128xf32, #tpu.memory_space<vmem>>, vector<1x16xf32>,
      }
      %sub3A_39 = arith.constant 128 : i32
      %sub3A_40 = arith.subi %sub3A_39, %min3A_21 : i32
      %sub3A_41 = arith.constant 1 : i32
      %sub3A_42 = arith.constant 1 : i32
      %sub3A_43 = arith.subi %sub3A_41, %sub3A_42 : i32
      %add3A_44 = arith.addi %sub3A_40, %sub3A_43 : i32
      %div3A_45 = arith.constant 1 : i32
      %div3A_46 = arith.divsi %add3A_44, %div3A_45 : i32
      %while3A_47 = arith.constant 1 : i32
      %while3A_48 = arith.constant 0 : i32
      %while3A_49 = arith.subi %div3A_46, %while3A_48 : i32
      %while3A_50 = arith.addi %while3A_48, %while3A_49 : i32
      %while3A_51 = arith.constant 1 : i32
      %while3A_52 = arith.divsi %while3A_49, %while3A_51 : i32
      %while3A_53 = arith.muli %while3A_52, %while3A_51 : i32
      %while3A_54 = arith.addi %while3A_48, %while3A_53 : i32
      %while3A_55 = arith.constant 1 : i32
      scf.for %while3A_57 = %while3A_48 to %while3A_54 step %while3A_55  : i32 {
        %mul3A_58 = arith.muli %while3A_57, %while3A_47 : i32
        %add3A_59 = arith.addi %min3A_21, %mul3A_58 : i32
        %get3A = arith.index_cast %add3A_59 : i32 to index
        %get3A_60 = arith.constant 0 : index
        %get3A_61 = tpu.vector_load %arg7[%get3A, %get3A_60] {strides = array<i32>} : memref<128x128xf32, #tpu.memory_space<vmem>>, vector<1x16xf32>,
        %get3A_62 = vector.shape_cast %get3A_61 : vector<1x16xf32> to vector<16xf32>
        %add3A_63 = arith.addi %rem3A_19, %add3A_59 : i32
        %sub3A_64 = arith.constant 200 : i32
        %sub3A_65 = arith.subi %add3A_63, %sub3A_64 : i32
        %get3A_66 = arith.index_cast %sub3A_65 : i32 to index
        %get3A_67 = arith.constant 0 : index
        %get3A_68 = tpu.vector_load %arg8[%get3A_66, %get3A_67] {strides = array<i32>} : memref<200x64xf32, #tpu.memory_space<vmem>>, vector<1x16xf32>,
        %get3A_69 = vector.shape_cast %get3A_68 : vector<1x16xf32> to vector<16xf32>
        %add3A_70 = arith.addf %get3A_62, %get3A_69 : vector<16xf32>
        %swap3A = arith.index_cast %add3A_59 : i32 to index
        %swap3A_71 = arith.constant 0 : index
        %swap3A_72 = tpu.vector_load %arg7[%swap3A, %swap3A_71] {strides = array<i32>} : memref<128x128xf32, #tpu.memory_space<vmem>>, vector<1x16xf32>,
        %swap3A_73 = vector.shape_cast %swap3A_72 : vector<1x16xf32> to vector<16xf32>
        %swap3A_74 = vector.shape_cast %add3A_70 : vector<16xf32> to vector<1x16xf32>
        tpu.vector_store %arg7[%swap3A, %swap3A_71], %swap3A_74 {strides = array<i32>} : memref<128x128xf32, #tpu.memory_space<vmem>>, vector<1x16xf32>,
        %get3A_75 = arith.index_cast %add3A_59 : i32 to index
        %get3A_76 = arith.constant 16 : index
        %get3A_77 = tpu.vector_load %arg7[%get3A_75, %get3A_76] {strides = array<i32>} : memref<128x128xf32, #tpu.memory_space<vmem>>, vector<1x16xf32>,
        %get3A_78 = vector.shape_cast %get3A_77 : vector<1x16xf32> to vector<16xf32>
        %add3A_79 = arith.addi %rem3A_19, %add3A_59 : i32
        %sub3A_80 = arith.constant 200 : i32
        %sub3A_81 = arith.subi %add3A_79, %sub3A_80 : i32
        %get3A_82 = arith.index_cast %sub3A_81 : i32 to index
        %get3A_83 = arith.constant 16 : index
        %get3A_84 = tpu.vector_load %arg8[%get3A_82, %get3A_83] {strides = array<i32>} : memref<200x64xf32, #tpu.memory_space<vmem>>, vector<1x16xf32>,
        %get3A_85 = vector.shape_cast %get3A_84 : vector<1x16xf32> to vector<16xf32>
        %add3A_86 = arith.addf %get3A_78, %get3A_85 : vector<16xf32>
        %swap3A_87 = arith.index_cast %add3A_59 : i32 to index
        %swap3A_88 = arith.constant 16 : index
        %swap3A_89 = tpu.vector_load %arg7[%swap3A_87, %swap3A_88] {strides = array<i32>} : memref<128x128xf32, #tpu.memory_space<vmem>>, vector<1x16xf32>,
        %swap3A_90 = vector.shape_cast %swap3A_89 : vector<1x16xf32> to vector<16xf32>
        %swap3A_91 = vector.shape_cast %add3A_86 : vector<16xf32> to vector<1x16xf32>
        tpu.vector_store %arg7[%swap3A_87, %swap3A_88], %swap3A_91 {strides = array<i32>} : memref<128x128xf32, #tpu.memory_space<vmem>>, vector<1x16xf32>,
        %get3A_92 = arith.index_cast %add3A_59 : i32 to index
        %get3A_93 = arith.constant 32 : index
        %get3A_94 = tpu.vector_load %arg7[%get3A_92, %get3A_93] {strides = array<i32>} : memref<128x128xf32, #tpu.memory_space<vmem>>, vector<1x16xf32>,
        %get3A_95 = vector.shape_cast %get3A_94 : vector<1x16xf32> to vector<16xf32>
        %add3A_96 = arith.addi %rem3A_19, %add3A_59 : i32
        %sub3A_97 = arith.constant 200 : i32
        %sub3A_98 = arith.subi %add3A_96, %sub3A_97 : i32
        %get3A_99 = arith.index_cast %sub3A_98 : i32 to index
        %get3A_100 = arith.constant 32 : index
        %get3A_101 = tpu.vector_load %arg8[%get3A_99, %get3A_100] {strides = array<i32>} : memref<200x64xf32, #tpu.memory_space<vmem>>, vector<1x16xf32>,
        %get3A_102 = vector.shape_cast %get3A_101 : vector<1x16xf32> to vector<16xf32>
        %add3A_103 = arith.addf %get3A_95, %get3A_102 : vector<16xf32>
        %swap3A_104 = arith.index_cast %add3A_59 : i32 to index
        %swap3A_105 = arith.constant 32 : index
        %swap3A_106 = tpu.vector_load %arg7[%swap3A_104, %swap3A_105] {strides = array<i32>} : memref<128x128xf32, #tpu.memory_space<vmem>>, vector<1x16xf32>,
        %swap3A_107 = vector.shape_cast %swap3A_106 : vector<1x16xf32> to vector<16xf32>
        %swap3A_108 = vector.shape_cast %add3A_103 : vector<16xf32> to vector<1x16xf32>
        tpu.vector_store %arg7[%swap3A_104, %swap3A_105], %swap3A_108 {strides = array<i32>} : memref<128x128xf32, #tpu.memory_space<vmem>>, vector<1x16xf32>,
        %get3A_109 = arith.index_cast %add3A_59 : i32 to index
        %get3A_110 = arith.constant 48 : index
        %get3A_111 = tpu.vector_load %arg7[%get3A_109, %get3A_110] {strides = array<i32>} : memref<128x128xf32, #tpu.memory_space<vmem>>, vector<1x16xf32>,
        %get3A_112 = vector.shape_cast %get3A_111 : vector<1x16xf32> to vector<16xf32>
        %add3A_113 = arith.addi %rem3A_19, %add3A_59 : i32
        %sub3A_114 = arith.constant 200 : i32
        %sub3A_115 = arith.subi %add3A_113, %sub3A_114 : i32
        %get3A_116 = arith.index_cast %sub3A_115 : i32 to index
        %get3A_117 = arith.constant 48 : index
        %get3A_118 = tpu.vector_load %arg8[%get3A_116, %get3A_117] {strides = array<i32>} : memref<200x64xf32, #tpu.memory_space<vmem>>, vector<1x16xf32>,
        %get3A_119 = vector.shape_cast %get3A_118 : vector<1x16xf32> to vector<16xf32>
        %add3A_120 = arith.addf %get3A_112, %get3A_119 : vector<16xf32>
        %swap3A_121 = arith.index_cast %add3A_59 : i32 to index
        %swap3A_122 = arith.constant 48 : index
        %swap3A_123 = tpu.vector_load %arg7[%swap3A_121, %swap3A_122] {strides = array<i32>} : memref<128x128xf32, #tpu.memory_space<vmem>>, vector<1x16xf32>,
        %swap3A_124 = vector.shape_cast %swap3A_123 : vector<1x16xf32> to vector<16xf32>
        %swap3A_125 = vector.shape_cast %add3A_120 : vector<16xf32> to vector<1x16xf32>
        tpu.vector_store %arg7[%swap3A_121, %swap3A_122], %swap3A_125 {strides = array<i32>} : memref<128x128xf32, #tpu.memory_space<vmem>>, vector<1x16xf32>,
      }
      %while3A_56 = arith.constant 1 : i32
      scf.for %while3A_57 = %while3A_54 to %while3A_50 step %while3A_56  : i32 {
        %mul3A_58 = arith.muli %while3A_57, %while3A_47 : i32
        %add3A_59 = arith.addi %min3A_21, %mul3A_58 : i32
        %get3A = arith.index_cast %add3A_59 : i32 to index
        %get3A_60 = arith.constant 0 : index
        %get3A_61 = tpu.vector_load %arg7[%get3A, %get3A_60] {strides = array<i32>} : memref<128x128xf32, #tpu.memory_space<vmem>>, vector<1x16xf32>,
        %get3A_62 = vector.shape_cast %get3A_61 : vector<1x16xf32> to vector<16xf32>
        %add3A_63 = arith.addi %rem3A_19, %add3A_59 : i32
        %sub3A_64 = arith.constant 200 : i32
        %sub3A_65 = arith.subi %add3A_63, %sub3A_64 : i32
        %get3A_66 = arith.index_cast %sub3A_65 : i32 to index
        %get3A_67 = arith.constant 0 : index
        %get3A_68 = tpu.vector_load %arg8[%get3A_66, %get3A_67] {strides = array<i32>} : memref<200x64xf32, #tpu.memory_space<vmem>>, vector<1x16xf32>,
        %get3A_69 = vector.shape_cast %get3A_68 : vector<1x16xf32> to vector<16xf32>
        %add3A_70 = arith.addf %get3A_62, %get3A_69 : vector<16xf32>
        %swap3A = arith.index_cast %add3A_59 : i32 to index
        %swap3A_71 = arith.constant 0 : index
        %swap3A_72 = tpu.vector_load %arg7[%swap3A, %swap3A_71] {strides = array<i32>} : memref<128x128xf32, #tpu.memory_space<vmem>>, vector<1x16xf32>,
        %swap3A_73 = vector.shape_cast %swap3A_72 : vector<1x16xf32> to vector<16xf32>
        %swap3A_74 = vector.shape_cast %add3A_70 : vector<16xf32> to vector<1x16xf32>
        tpu.vector_store %arg7[%swap3A, %swap3A_71], %swap3A_74 {strides = array<i32>} : memref<128x128xf32, #tpu.memory_space<vmem>>, vector<1x16xf32>,
        %get3A_75 = arith.index_cast %add3A_59 : i32 to index
        %get3A_76 = arith.constant 16 : index
        %get3A_77 = tpu.vector_load %arg7[%get3A_75, %get3A_76] {strides = array<i32>} : memref<128x128xf32, #tpu.memory_space<vmem>>, vector<1x16xf32>,
        %get3A_78 = vector.shape_cast %get3A_77 : vector<1x16xf32> to vector<16xf32>
        %add3A_79 = arith.addi %rem3A_19, %add3A_59 : i32
        %sub3A_80 = arith.constant 200 : i32
        %sub3A_81 = arith.subi %add3A_79, %sub3A_80 : i32
        %get3A_82 = arith.index_cast %sub3A_81 : i32 to index
        %get3A_83 = arith.constant 16 : index
        %get3A_84 = tpu.vector_load %arg8[%get3A_82, %get3A_83] {strides = array<i32>} : memref<200x64xf32, #tpu.memory_space<vmem>>, vector<1x16xf32>,
        %get3A_85 = vector.shape_cast %get3A_84 : vector<1x16xf32> to vector<16xf32>
        %add3A_86 = arith.addf %get3A_78, %get3A_85 : vector<16xf32>
        %swap3A_87 = arith.index_cast %add3A_59 : i32 to index
        %swap3A_88 = arith.constant 16 : index
        %swap3A_89 = tpu.vector_load %arg7[%swap3A_87, %swap3A_88] {strides = array<i32>} : memref<128x128xf32, #tpu.memory_space<vmem>>, vector<1x16xf32>,
        %swap3A_90 = vector.shape_cast %swap3A_89 : vector<1x16xf32> to vector<16xf32>
        %swap3A_91 = vector.shape_cast %add3A_86 : vector<16xf32> to vector<1x16xf32>
        tpu.vector_store %arg7[%swap3A_87, %swap3A_88], %swap3A_91 {strides = array<i32>} : memref<128x128xf32, #tpu.memory_space<vmem>>, vector<1x16xf32>,
        %get3A_92 = arith.index_cast %add3A_59 : i32 to index
        %get3A_93 = arith.constant 32 : index
        %get3A_94 = tpu.vector_load %arg7[%get3A_92, %get3A_93] {strides = array<i32>} : memref<128x128xf32, #tpu.memory_space<vmem>>, vector<1x16xf32>,
        %get3A_95 = vector.shape_cast %get3A_94 : vector<1x16xf32> to vector<16xf32>
        %add3A_96 = arith.addi %rem3A_19, %add3A_59 : i32
        %sub3A_97 = arith.constant 200 : i32
        %sub3A_98 = arith.subi %add3A_96, %sub3A_97 : i32
        %get3A_99 = arith.index_cast %sub3A_98 : i32 to index
        %get3A_100 = arith.constant 32 : index
        %get3A_101 = tpu.vector_load %arg8[%get3A_99, %get3A_100] {strides = array<i32>} : memref<200x64xf32, #tpu.memory_space<vmem>>, vector<1x16xf32>,
        %get3A_102 = vector.shape_cast %get3A_101 : vector<1x16xf32> to vector<16xf32>
        %add3A_103 = arith.addf %get3A_95, %get3A_102 : vector<16xf32>
        %swap3A_104 = arith.index_cast %add3A_59 : i32 to index
        %swap3A_105 = arith.constant 32 : index
        %swap3A_106 = tpu.vector_load %arg7[%swap3A_104, %swap3A_105] {strides = array<i32>} : memref<128x128xf32, #tpu.memory_space<vmem>>, vector<1x16xf32>,
        %swap3A_107 = vector.shape_cast %swap3A_106 : vector<1x16xf32> to vector<16xf32>
        %swap3A_108 = vector.shape_cast %add3A_103 : vector<16xf32> to vector<1x16xf32>
        tpu.vector_store %arg7[%swap3A_104, %swap3A_105], %swap3A_108 {strides = array<i32>} : memref<128x128xf32, #tpu.memory_space<vmem>>, vector<1x16xf32>,
        %get3A_109 = arith.index_cast %add3A_59 : i32 to index
        %get3A_110 = arith.constant 48 : index
        %get3A_111 = tpu.vector_load %arg7[%get3A_109, %get3A_110] {strides = array<i32>} : memref<128x128xf32, #tpu.memory_space<vmem>>, vector<1x16xf32>,
        %get3A_112 = vector.shape_cast %get3A_111 : vector<1x16xf32> to vector<16xf32>
        %add3A_113 = arith.addi %rem3A_19, %add3A_59 : i32
        %sub3A_114 = arith.constant 200 : i32
        %sub3A_115 = arith.subi %add3A_113, %sub3A_114 : i32
        %get3A_116 = arith.index_cast %sub3A_115 : i32 to index
        %get3A_117 = arith.constant 48 : index
        %get3A_118 = tpu.vector_load %arg8[%get3A_116, %get3A_117] {strides = array<i32>} : memref<200x64xf32, #tpu.memory_space<vmem>>, vector<1x16xf32>,
        %get3A_119 = vector.shape_cast %get3A_118 : vector<1x16xf32> to vector<16xf32>
        %add3A_120 = arith.addf %get3A_112, %get3A_119 : vector<16xf32>
        %swap3A_121 = arith.index_cast %add3A_59 : i32 to index
        %swap3A_122 = arith.constant 48 : index
        %swap3A_123 = tpu.vector_load %arg7[%swap3A_121, %swap3A_122] {strides = array<i32>} : memref<128x128xf32, #tpu.memory_space<vmem>>, vector<1x16xf32>,
        %swap3A_124 = vector.shape_cast %swap3A_123 : vector<1x16xf32> to vector<16xf32>
        %swap3A_125 = vector.shape_cast %add3A_120 : vector<16xf32> to vector<1x16xf32>
        tpu.vector_store %arg7[%swap3A_121, %swap3A_122], %swap3A_125 {strides = array<i32>} : memref<128x128xf32, #tpu.memory_space<vmem>>, vector<1x16xf32>,
      }
      "tpu.region"() ({
        %run_scoped3A = tpu.sem_alloc : memref<!tpu.dma_semaphore, #tpu.memory_space<semaphore_mem>>
        %dma_start3A_57 = arith.constant 0 : i32
        %dma_start3A_58 = tpu.memref_slice %arg5[%mul3A_14, %dma_start3A_57] : memref<204800x128xf32, #tpu.memory_space<hbm>> -> memref<128x128xf32, #tpu.memory_space<hbm>>
        %dma_start3A_59 = arith.constant 0 : i32
        %dma_start3A_60 = tpu.memref_slice %arg5[%mul3A_14, %dma_start3A_59] : memref<204800x128xf32, #tpu.memory_space<hbm>> -> memref<128x128xf32, #tpu.memory_space<hbm>>
        tpu.enqueue_dma source(%arg7 : memref<128x128xf32, #tpu.memory_space<vmem>>) target(%dma_start3A_60 : memref<128x128xf32, #tpu.memory_space<hbm>>) target_semaphore(%run_scoped3A : memref<!tpu.dma_semaphore, #tpu.memory_space<semaphore_mem>>)
        %dma_wait3A_61 = arith.constant 0 : i32
        %dma_wait3A_62 = tpu.memref_slice %arg5[%mul3A_14, %dma_wait3A_61] : memref<204800x128xf32, #tpu.memory_space<hbm>> -> memref<128x128xf32, #tpu.memory_space<hbm>>
        %dma_wait3A_63 = arith.constant 0 : i32
        %dma_wait3A_64 = tpu.memref_slice %arg5[%mul3A_14, %dma_wait3A_63] : memref<204800x128xf32, #tpu.memory_space<hbm>> -> memref<128x128xf32, #tpu.memory_space<hbm>>
        tpu.wait_dma2 semaphore(%run_scoped3A : memref<!tpu.dma_semaphore, #tpu.memory_space<semaphore_mem>>) src(%arg7 : memref<128x128xf32, #tpu.memory_space<vmem>>) dst(%dma_wait3A_64 : memref<128x128xf32, #tpu.memory_space<hbm>>)
        tpu.yield
      }) : () -> ()
    }
    %scan3A_4 = arith.constant 50 : i32
    return
  }
}

</mosaic_0001>

<sc_bundles>
// kernel: kernel.3.cloned.1.call-start
scs
__scs_entry_jumppad:
0x0: {  	(pc) =	sbr.rel $0x88, $3  }
0x1: {  	(tag) =	ssettag $0x0;
	lr =	simm.s32 $0x1  }
0x2: {  	[smem:$0x3F9E] =	sst lr;
	_ =	strace $0xD0000000  }
0x3: {  	_ = 	snop  }
0x4: {  	_ = 	snop  }
0x5: {  	_ = 	snop  }
0x6: {  	_ = 	snop  }
0x7: {  	_ = 	snop  }
__scs_overlays_trampoline_lowered:
0x8: {  	[smem:$0x3FAD] =	sst s0  }
0x9: {  	[smem:$0x3FAE] =	sst s1  }
0xa: {  	[smem:$0x3FAF] =	sst s2  }
0xb: {  	[smem:$0x3FB0] =	sst s3  }
0xc: {  	[smem:$0x3FB1] =	sst s4  }
0xd: {  	[smem:$0x3FB2] =	sst s5  }
0xe: {  	[smem:$0x3FB3] =	sst s6  }
0xf: {  	[smem:$0x3FB4] =	sst s7  }
0x10: {  	[smem:$0x3FB5] =	sst s8  }
0x11: {  	[smem:$0x3FB6] =	sst s9;
	s0 =	simm.s32 @!p0 $0x0  }
0x12: {  	s1 =	sld [smem:$0x3F9C];
	s0 =	simm.s32 @p0 $0x1  }
0x13: {  	[smem:$0x3FB7] =	sst s0;
	s0 =	simm.s32 @!p1 $0x0  }
0x14: {  	s2 =	sld [smem:$0x3F9B];
	s0 =	simm.s32 @p1 $0x1  }
0x15: {  	[smem:$0x3FB8] =	sst s0;
	s0 =	simm.s32 @!p2 $0x0  }
0x16: {  	s3 =	sld [smem:$0x3FDB];
	s0 =	simm.s32 @p2 $0x1  }
0x17: {  	s4 =	simm.s32 $0x1BF5;
	[smem:$0x3FBA] =	sst s0  }
0x18: {  	s0 =	sld [smem:$0x3F9D];
	_ =	swait.ge [sflag:s4], $0x0  }
0x19: {  	s7 =	sld [smem:$0x3F9E]  }
0x1a: {  	s8 =	sadd.s32 $0xFFFFE003, lr  }
0x1b: {  	s9 =	sadd.s32 $0xFFFFFEF7, lr;
	s5 =	simm.s32 $0xFFFFFFFF;
	p2 =	slt.u32 s8, $0xFFFFF086  }
0x1c: {  	p1 =	slt.u32 s9, $0xF7A;
	s5 =	simm.s32 @!p2 $0x0  }
0x1d: {  	s5 =	simm.s32 @p1 $0x1;
	p0 =	seq.s32 s7, s2  }
0x1e: {  	s7 =	smul.u32 @!p0 $0xF7A, s2;
	p2 =	seq.s32 @!p0 s5, $0x0  }
0x1f: {  	s9 =	smul.u32 $0xF7A, s1;
	s8 =	simm.s32 @!p0 $0x1BF5;
	p2 =	por !p2, p0  }
0x20: {  	[sflag:s8] =	ssyncset.s32 @!p0 $0xFFFFF086;
	s6 =	sadd.s32 @!p0 s3, s7;
	s7 =	simm.s32 @!p0 $0x108  }
0x21: {  	s3 =	sadd.s32 s3, s9;
	s6 =	sadd.s32 @!p0 $0x88, s6;
	s7 =	simm.s32 @p2 $0x1082  }
0x22: {  	[simem:s7], [sflag:s8] =	dma.local @!p0 [hbm:s6], $0xF7A  }
0x23: {  	s9 =	sor.u32 $0xD0000000, s2;
	s6 =	simm.s32 $0x108;
	_ =	swait.ge @!p0 [sflag:s8], $0x0  }
0x24: {  	s3 =	sadd.s32 $0x88, s3;
	s6 =	simm.s32 @!p1 $0x1082;
	[sflag:s4] =	ssyncset.s32 $0xFFFFF086  }
0x25: {  	[simem:s6], [sflag:s4] =	dma.local [hbm:s3], $0xF7A  }
0x26: {  	[smem:$0x3F9E] =	sst s1;
	(tag) =	ssettag s2;
	_ =	strace s9  }
0x27: {  	s1 =	sld [smem:$0x3FAE]  }
0x28: {  	s2 =	sld [smem:$0x3FAF]  }
0x29: {  	s4 =	sld [smem:$0x3FB1]  }
0x2a: {  	p0 =	seq.s32 s5, $0x0;
	s5 =	sld [smem:$0x3FB2]  }
0x2b: {  	s6 =	sld [smem:$0x3FB3]  }
0x2c: {  	s7 =	sld [smem:$0x3FB4]  }
0x2d: {  	s3 =	simm.s32 $0x108;
	s8 =	sld [smem:$0x3FB5]  }
0x2e: {  	s3 =	simm.s32 @!p0 $0x1082;
	s9 =	sld [smem:$0x3FB6]  }
0x2f: {  	lr =	sadd.s32 s0, s3;
	s0 =	sld [smem:$0x3FAD]  }
0x30: {  	s3 =	sld [smem:$0x3FB0]  }
0x31: {  	[smem:$0x3FB9] =	sst s10  }
0x32: {  	s10 =	sld [smem:$0x3FB7];
	_ =	sdelay $0x3  }
0x33: {  	p0 =	seq.s32 s10, $0x1;
	s10 =	sld [smem:$0x3FB9];
	_ =	sdelay $0x3  }
0x34: {  	[smem:$0x3FB9] =	sst s10  }
0x35: {  	s10 =	sld [smem:$0x3FB8];
	_ =	sdelay $0x3  }
0x36: {  	p1 =	seq.s32 s10, $0x1;
	s10 =	sld [smem:$0x3FB9];
	_ =	sdelay $0x3  }
0x37: {  	[smem:$0x3FB9] =	sst s10  }
0x38: {  	s10 =	sld [smem:$0x3FBA]  }
0x39: {  	_ = 	snop;
	(pc) =	sbr.ind lr, $3  }
0x3a: {  	_ = 	snop  }
0x3b: {  	_ = 	snop  }
0x3c: {  	p2 =	seq.s32 s10, $0x1;
	s10 =	sld [smem:$0x3FB9]  }
0x3d: {  	_ =	shalt  }
0x3e: {  	_ =	shalt  }
0x3f: {  	_ =	shalt  }
0x40: {  	_ =	shalt  }
0x41: {  	_ =	shalt  }
0x42: {  	_ =	shalt  }
0x43: {  	_ =	shalt  }
0x44: {  	_ =	shalt  }
0x45: {  	_ =	shalt  }
0x46: {  	_ =	shalt  }
0x47: {  	_ =	shalt  }
0x48: {  	_ =	shalt  }
0x49: {  	_ =	shalt  }
0x4a: {  	_ =	shalt  }
0x4b: {  	_ =	shalt  }
0x4c: {  	_ =	shalt  }
0x4d: {  	_ =	shalt  }
0x4e: {  	_ =	shalt  }
0x4f: {  	_ =	shalt  }
0x50: {  	_ =	shalt  }
0x51: {  	_ =	shalt  }
0x52: {  	_ =	shalt  }
0x53: {  	_ =	shalt  }
0x54: {  	_ =	shalt  }
0x55: {  	_ =	shalt  }
0x56: {  	_ =	shalt  }
0x57: {  	_ =	shalt  }
0x58: {  	_ =	shalt  }
0x59: {  	_ =	shalt  }
0x5a: {  	_ =	shalt  }
0x5b: {  	_ =	shalt  }
0x5c: {  	_ =	shalt  }
0x5d: {  	_ =	shalt  }
0x5e: {  	_ =	shalt  }
0x5f: {  	_ =	shalt  }
0x60: {  	_ =	shalt  }
0x61: {  	_ =	shalt  }
0x62: {  	_ =	shalt  }
0x63: {  	_ =	shalt  }
0x64: {  	_ =	shalt  }
0x65: {  	_ =	shalt  }
0x66: {  	_ =	shalt  }
0x67: {  	_ =	shalt  }
0x68: {  	_ =	shalt  }
0x69: {  	_ =	shalt  }
0x6a: {  	_ =	shalt  }
0x6b: {  	_ =	shalt  }
0x6c: {  	_ =	shalt  }
0x6d: {  	_ =	shalt  }
0x6e: {  	_ =	shalt  }
0x6f: {  	_ =	shalt  }
0x70: {  	_ =	shalt  }
0x71: {  	_ =	shalt  }
0x72: {  	_ =	shalt  }
0x73: {  	_ =	shalt  }
0x74: {  	_ =	shalt  }
0x75: {  	_ =	shalt  }
0x76: {  	_ =	shalt  }
0x77: {  	_ =	shalt  }
0x78: {  	_ =	shalt  }
0x79: {  	_ =	shalt  }
0x7a: {  	_ =	shalt  }
0x7b: {  	_ =	shalt  }
0x7c: {  	_ =	shalt  }
0x7d: {  	_ =	shalt  }
0x7e: {  	_ =	shalt  }
0x7f: {  	_ =	shalt  }
0x80: {  	_ =	shalt  }
0x81: {  	_ =	shalt  }
0x82: {  	_ =	shalt  }
0x83: {  	_ =	shalt  }
0x84: {  	_ =	shalt  }
0x85: {  	_ =	shalt  }
0x86: {  	_ =	shalt  }
0x87: {  	_ =	shalt  }
.Lfunc_end0:
.L_simem_size_0:
called_computation.1_lowered:
.L_overlay_start_0:
0x88: {  	s2 =	sld [smem:$0x3FD9]  }
0x89: {  	s3 =	sld [smem:$0x3FFE];
	_ =	sdelay $0x1  }
0x8a: {  	s1 =	srdreg.scid  }
0x8b: {  	s0 =	sand.u32 $0x1, s1  }
0x8c: {  	s17 =	sshll.u32 s0, $0xA;
	s2 =	sadd.s32 s3, s2  }
0x8d: {  	s2 =	sadd.s32 s2, s17  }
0x8e: {  	[smem:$0x3FC5] =	sst s2  }
0x8f: {  	_ = 	snop  }
0x90: {  	s2 =	sld [smem:$0x3FD0];
	(tm) =	ssettm $0x1  }
0x91: {  	s18 =	sld [smem:$0x3FFB];
	_ =	sdelay $0x3  }
0x92: {  	_ =	strace s18  }
0x93: {  	s3 =	sld [smem:$0x3FFC];
	_ =	sdelay $0x3  }
0x94: {  	_ =	strace s3  }
0x95: {  	s3 =	sld [smem:$0x3FFD];
	_ =	sdelay $0x3  }
0x96: {  	_ =	strace s3  }
0x97: {  	_ =	strace $0x8FFFFFFF  }
0x98: {  	s19 =	sld [smem:$0x3FDB];
	_ =	sdelay $0x1  }
0x99: {  	s4 =	simm.s32 $_scs_section_size  }
0x9a: {  	s5 =	simm.s32 $_size__tile_overlayer_lowered;
	s6 =	simm.s32 $_tile_overlayer_lowered  }
0x9b: {  	s22 =	simm.s32 $0x1BFF;
	s21 =	sshll.u32 s6, $0x1;
	s3 =	sadd.s32 s4, s19  }
0x9c: {  	s7 =	simm.s32 $0x0;
	s20 =	sshll.u32 s5, $0x1;
	s5 =	sadd.s32 s21, s3  }
0x9d: {  	[timem:s7], [sflag:s22] =	dma.local [hbm:s5], s20  }
0x9e: {  	_ =	swait.ge [sflag:s22], s20  }
0x9f: {  	s4 =	ssub.s32 $0x0, s20;
	[sflag:s22] =	ssyncset.done $0x0  }
0xa0: {  	[sflag:s22] =	ssyncadd.s32 s4;
	_ =	sdelay $0x1  }
0xa1: {  	s23 =	simm.s32 $0x1B8B  }
0xa2: {  	_ =	swait.ge [sflag:s23], $0x1  }
0xa3: {  	[sflag:s23] =	ssyncset.done $0x0  }
0xa4: {  	s25 =	simm.s32 $0x1B8E;
	s24 =	sld [smem:$0x3FFE];
	[sflag:s23] =	ssyncadd.s32 $0xFFFFFFFF  }
0xa5: {  	s26 =	simm.s32 $execute0_lowered;
	[smem:$0x3FD2] =	sst s25  }
0xa6: {  	s5 =	sshll.u32 s26, $0x1;
	_ =	strace $0x80000046;
	[dreg:$0x1] =	wrdreg $0xFFFFFFFF  }
0xa7: {  	s28 =	simm.s32 $_size_execute0_lowered;
	s3 =	sadd.s32 s3, s5;
	[dreg:$0x0] =	wrdreg $0x0  }
0xa8: {  	s5 =	sshll.u32 s28, $0x1;
	[dreg:$0x2] =	wrdreg s3  }
0xa9: {  	[dreg:$0x3] =	wrdreg s5  }
0xaa: {  	[dreg:$0x4] =	wrdreg $0xC0  }
0xab: {  	_ =	task [dreg:s7], $0x5FFFF  }
0xac: {  	[dreg:$0x1] =	wrdreg $0xFFFFFFFF  }
0xad: {  	[dreg:$0x0] =	wrdreg $0x60  }
0xae: {  	[dreg:$0x2] =	wrdreg s2  }
0xaf: {  	[dreg:$0x3] =	wrdreg s24  }
0xb0: {  	[dreg:$0x4] =	wrdreg $0x9  }
0xb1: {  	_ =	task.clear_ibuf [dreg:s7], $0x5FFFF;
	_ =	strace $0x90000046  }
0xb2: {  	s29 =	simm.s32 $0x9;
	_ =	strace $0x80000048  }
0xb3: {  	_ =	swait.ge [sflag:s29], $0x1  }
0xb4: {  	[sflag:s29] =	ssyncadd.s32 $0xFFFFFFFF  }
0xb5: {  	_ =	strace $0x90000048  }
0xb6: {  	_ =	sfence  }
0xb7: {  	s30 =	sld [smem:$0x0];
	_ =	sdelay $0x2  }
0xb8: {  	s31 =	sshll.u32 s1, $0xD;
	s1 =	sshrl.u32 s1, $0x2  }
0xb9: {  	s3 =	sand.u32 $0x4000, s31;
	s1 =	sadd.s32 s1, s30  }
0xba: {  	s0 =	sor.u32 s3, s0;
	s1 =	sshll.u32 s1, $0x11  }
0xbb: {  	s0 =	sor.u32 s1, s0  }
0xbc: {  	s0 =	sadd.s32 $0x8F2B, s0  }
0xbd: {  	[sflag:s0] =	ssyncadd.remote.s32 $0x1  }
0xbe: {  	_ =	sfence.sel $0xFFFF  }
0xbf: {  	[dreg:$0x0] =	wrdreg $0xFFFFFFFF;
	(pc) =	sbr.abs _section_cstart, $3  }
0xc0: {  	[dreg:$0x1] =	wrdreg $0xFFFFFFFF  }
0xc1: {  	_ =	task.clear_ibuf [dreg:s7], $0x2FFFF;
	_ =	strace $0x9FFFFFFF  }
0xc2: {  	(tm) =	ssettm $0x7FFFFFFF  }
0xc3: {  	_ =	shalt  }
tec
execute0_lowered:
.L_overlay_start_1:
0x0: {  	(tag) =	ssettag $0x1  }
0x1: {  	s1 =	rddreg [dreg:$0x0]  }
0x2: {  	s6 =	rddreg [dreg:$0x1];
	s3 =	srdreg.scid  }
0x3: {  	s2 =	simm.s32 $0x0;
	s15 =	simm.s32 $0x1;
	s7 =	sand.u32 $0x1, s3  }
0x4: {  	s16 =	simm.s32 $0x0;
	s3 =	stileid.u32;
	s8 =	smul.u32 $0x1900, s7  }
0x5: {  	[smem:$0x7FF] =	sst s2;
	s4 =	sadd.s32 $0xF43E00, s6;
	s9 =	smul.u32 $0x3200, s3  }
0x6: {  	s5 =	sadd.s32 $0xF43000, s6;
	s6 =	sadd.s32 $0xC00, s6;
	s11 =	smul.u32 $0x640000, s3  }
0x7: {  	_ =	strace $0x80000047;
	s10 =	ssub.s32 $0x2, s7;
	s14 =	smul.u32 $0x320000, s7  }
.Ltmp0:
0x8: {  	s13 =	sshll.u32 s3, $0x1;
	s12 =	sshrl.u32 s10, $0x1;
	(pc) =	sbr.rel .LBB2_1-.Ltmp0, $4  }
0x9: {  	s7 =	sor.u32 s7, s13;
	s13 =	simm.s32 $0x2;
	s10 =	ssub.s32 s10, s12  }
0xa: {  	s7 =	smul.u32 $0x32, s7;
	s8 =	sadd.s32 s9, s8;
	s11 =	sadd.s32 s14, s11  }
0xb: {  	s12 =	simm.s32 $0x4080;
	s14 =	simm.s32 $0x80;
	s11 =	sshrl.u32 s11, $0x2  }
0xc: {  	s9 =	ssub.s32 $0xC8, s8;
	s10 =	smax.u32 s10, $0x1;
	s11 =	sor.u32 $0x4080, s11  }
.LBB2_9:
0xd: {  	s16 =	sadd.s32 $0x1, s16  }
0xe: {  	p0 =	sne.s32 s16, s10  }
.Ltmp1:
0xf: {  	_ = 	snop;
	(pc) =	sbr.rel @!p0 .LBB2_10-.Ltmp1, $1  }
0x10: {  	_ =	sdelay $0x3  }
.LBB2_1:
.Ltmp2:
0x11: {  	(pc) =	sbr.rel .LBB2_2-.Ltmp2, $4  }
0x12: {  	[tilespmem:s12], [sflag:$0x2] =	stream.linear.gather [hbm4b:s5+s2], $0x6400, $0x38;
	[tilespmem:$0xA480] =	vst v63  }
0x13: {  	s17 =	smov.u32 s9;
	s18 =	smov.u32 s8;
	_ =	swait.ge [sflag:s13], $0x6400  }
0x14: {  	s19 =	smov.u32 s11;
	s20 =	smov.u32 s8;
	[sflag:s13] =	ssyncset.done $0x0  }
0x15: {  	s21 =	smov.u32 s9;
	s22 =	simm.s32 $0x0;
	[sflag:s13] =	ssyncadd.s32 $0xFFFF9C00  }
.LBB2_7:
0x16: {  	v0 =	vadd.f32 v1, v0;
	_ =	sdelay $0x1  }
0x17: {  	v58 =	vld [tilespmem:s25+$0xFFFFFFF0];
	[tilespmem:s25+$0xFFFFFFE0] =	vst v0  }
0x18: {  	v59 =	vld [tilespmem:s24+$0x10];
	_ =	sdelay $0x4  }
0x19: {  	v0 =	vadd.f32 v59, v58;
	_ =	sdelay $0x1  }
0x1a: {  	v60 =	vld [tilespmem:s25+$0x0];
	[tilespmem:s25+$0xFFFFFFF0] =	vst v0  }
0x1b: {  	v61 =	vld [tilespmem:s24+$0x20];
	_ =	sdelay $0x4  }
0x1c: {  	v0 =	vadd.f32 v61, v60;
	_ =	sdelay $0x1  }
0x1d: {  	v62 =	vld [tilespmem:s25+$0x10];
	[tilespmem:s25+$0x0] =	vst v0  }
0x1e: {  	v63 =	vld [tilespmem:s24+$0x30];
	_ =	sdelay $0x4  }
0x1f: {  	v0 =	vadd.f32 v63, v62;
	_ =	sdelay $0x1  }
0x20: {  	[tilespmem:s26+$0x10] =	vst v0  }
.LBB2_8:
0x21: {  	s22 =	sadd.s32 $0x1, s22  }
0x22: {  	s0 =	sshll.u32 s23, $0xB;
	p0 =	sne.s32 s22, $0x32  }
.Ltmp3:
0x23: {  	s0 =	sadd.s32 s6, s0;
	(pc) =	sbr.rel @!p0 .LBB2_9-.Ltmp3, $4  }
0x24: {  	[hbm4b:s0+s2] =	stream.linear.scatter [tilespmem:s14], [sflag:$0x2], $0x4000, $0x38;
	[tilespmem:$0xA480] =	vst v63  }
0x25: {  	s21 =	sadd.s32 $0xFFFFFF80, s21;
	_ =	swait.ge [sflag:s13], $0x4000  }
0x26: {  	s20 =	sadd.s32 $0x80, s20;
	s19 =	sadd.s32 $0x4000, s19;
	[sflag:s13] =	ssyncset.done $0x0  }
0x27: {  	s18 =	sadd.s32 $0x80, s18;
	s17 =	sadd.s32 $0xFFFFFF80, s17;
	[sflag:s13] =	ssyncadd.s32 $0xFFFFC000  }
.LBB2_2:
0x28: {  	s24 =	smulhi.u32 $0x51EB851F, s18  }
0x29: {  	s23 =	sadd.s32 s7, s22  }
0x2a: {  	s25 =	sshll.u32 s23, $0x4;
	s24 =	sshrl.u32 s24, $0x6  }
0x2b: {  	s28 =	simm.s32 $0x0;
	s25 =	sadd.s32 s1, s25;
	s26 =	smul.u32 $0xFFFE7000, s24  }
0x2c: {  	[tilespmem:s28], [sflag:$0x2] =	stream.linear.gather [hbm4b:s25+s28], $0x80, $0x38;
	[tilespmem:$0xA480] =	vst v63  }
0x2d: {  	_ =	swait.ge [sflag:s13], $0x80  }
0x2e: {  	s26 =	sshra.s32 s26, $0x2;
	[sflag:s13] =	ssyncset.done $0x0  }
0x2f: {  	s25 =	sadd.s32 s26, s19;
	[sflag:s13] =	ssyncadd.s32 $0xFFFFFF80  }
0x30: {  	v0 =	vmov s25;
	[tilespmem:s14], [sflag:$0x1] =	stream.indirect.gather [hbm4b:s4+s14], $0x80, s28, s14, $0xb8;
	[tilespmem:$0xA480] =	vst v63  }
0x31: {  	_ =	swait.ge [sflag:s15], $0x4000  }
0x32: {  	[sflag:s15] =	ssyncset.done $0x0  }
0x33: {  	s26 =	simm.s32 $0x0;
	[sflag:s15] =	ssyncadd.s32 $0xFFFFC000  }
0x34: {  	v2 =	vld [tilespmem:s26+$0x80]  }
0x35: {  	v1 =	vld.idx.msk [tilespmem:v0+s26+$0x0 ss:$0x1], $0xffff;
	_ =	sdelay $0x4  }
0x36: {  	v1 =	vadd.f32 v1, v2;
	_ =	sdelay $0x1  }
0x37: {  	v2 =	vld [tilespmem:s26+$0x90];
	[tilespmem:s26+$0x80] =	vst v1  }
0x38: {  	v1 =	vld.idx.msk [tilespmem:v0+s26+$0x10 ss:$0x1], $0xffff;
	_ =	sdelay $0x4  }
0x39: {  	v1 =	vadd.f32 v1, v2;
	_ =	sdelay $0x1  }
0x3a: {  	s0 =	smulhi.u32 $0x51EB851F, s20;
	v2 =	vld [tilespmem:s26+$0xA0];
	[tilespmem:s26+$0x90] =	vst v1  }
0x3b: {  	v1 =	vld.idx.msk [tilespmem:v0+s26+$0x20 ss:$0x1], $0xffff  }
0x3c: {  	s24 =	smul.u32 $0xC8, s24;
	s25 =	sshrl.u32 s0, $0x6  }
0x3d: {  	s25 =	smul.u32 $0xC8, s25;
	_ =	sdelay $0x1  }
0x3e: {  	s28 =	sadd.s32 s24, s17;
	s25 =	sadd.s32 s25, s21  }
0x3f: {  	s30 =	smin.u32 s28, $0x80;
	s25 =	smin.u32 s25, $0x80;
	v1 =	vadd.f32 v1, v2  }
0x40: {  	s29 =	sadd.s32 s18, s30;
	s28 =	ssub.s32 $0x80, s25;
	s25 =	smax.u32 s25, $0x1  }
0x41: {  	s31 =	sshll.u32 s23, $0x7;
	s24 =	ssub.s32 s29, s24;
	s29 =	sshll.u32 s25, $0x9;
	v2 =	vld [tilespmem:s26+$0xB0];
	[tilespmem:s26+$0xA0] =	vst v1  }
0x42: {  	s0 =	smulhi.u32 $0x51EB851F, s31;
	p0 =	sne.s32 s29, $0x200;
	v1 =	vld.idx.msk [tilespmem:v0+s26+$0x30 ss:$0x1], $0xffff  }
.Ltmp4:
0x43: {  	_ = 	snop;
	(pc) =	sbr.rel @!p0 .LBB2_4-.Ltmp4, $4  }
0x44: {  	s0 =	sshrl.u32 s0, $0x6;
	s24 =	sshll.u32 s24, $0x9  }
0x45: {  	s0 =	smul.u32 $0xC8, s0;
	s24 =	sshra.s32 s24, $0x2  }
0x46: {  	s28 =	smax.u32 s28, $0x1;
	s24 =	sadd.s32 $0xFFFFDC80, s24;
	s25 =	sshll.u32 s30, $0x7  }
0x47: {  	s30 =	ssub.s32 s31, s0;
	s31 =	simm.s32 $0x200;
	s25 =	sadd.s32 $0xA0, s25;
	v1 =	vadd.f32 v1, v2  }
.LBB2_3:
0x48: {  	_ = 	snop  }
0x49: {  	[tilespmem:s26+$0xB0] =	vst v1;
	s26 =	sshra.s32 s31, $0x2;
	s31 =	sadd.s32 $0x200, s31  }
0x4a: {  	v1 =	vld.idx.msk [tilespmem:v0+s26+$0x0 ss:$0x1], $0xffff;
	p0 =	sne.s32 s29, s31  }
0x4b: {  	v2 =	vld [tilespmem:s26+$0x80];
	_ =	sdelay $0x4  }
0x4c: {  	v1 =	vadd.f32 v1, v2;
	_ =	sdelay $0x1  }
0x4d: {  	[tilespmem:s26+$0x80] =	vst v1  }
0x4e: {  	v1 =	vld.idx.msk [tilespmem:v0+s26+$0x10 ss:$0x1], $0xffff  }
0x4f: {  	v2 =	vld [tilespmem:s26+$0x90];
	_ =	sdelay $0x4  }
0x50: {  	v1 =	vadd.f32 v1, v2;
	_ =	sdelay $0x1  }
0x51: {  	[tilespmem:s26+$0x90] =	vst v1  }
0x52: {  	v1 =	vld.idx.msk [tilespmem:v0+s26+$0x20 ss:$0x1], $0xffff  }
0x53: {  	v2 =	vld [tilespmem:s26+$0xA0];
	_ =	sdelay $0x4  }
0x54: {  	v1 =	vadd.f32 v1, v2;
	_ =	sdelay $0x1  }
0x55: {  	[tilespmem:s26+$0xA0] =	vst v1  }
0x56: {  	v1 =	vld.idx.msk [tilespmem:v0+s26+$0x30 ss:$0x1], $0xffff  }
0x57: {  	v2 =	vld [tilespmem:s26+$0xB0]  }
.Ltmp5:
0x58: {  	(pc) =	sbr.rel @p0 .LBB2_3-.Ltmp5, $2  }
0x59: {  	_ =	sdelay $0x2  }
0x5a: {  	v1 =	vadd.f32 v1, v2  }
.LBB2_4:
0x5b: {  	p0 =	slt.u32 s30, $0x49  }
.Ltmp6:
0x5c: {  	_ = 	snop;
	(pc) =	sbr.rel @p0 .LBB2_8-.Ltmp6, $2  }
0x5d: {  	_ =	sdelay $0x2  }
0x5e: {  	[tilespmem:s26+$0xB0] =	vst v1  }
0x5f: {  	p0 =	sne.s32 s28, $0x1;
	v0 =	vld [tilespmem:s25+$0xFFFFFFE0]  }
.Ltmp7:
0x60: {  	v1 =	vld [tilespmem:s24+$0x0];
	(pc) =	sbr.rel @!p0 .LBB2_7-.Ltmp7, $2  }
0x61: {  	_ =	sdelay $0x2  }
0x62: {  	s28 =	sadd.s32 $0xFFFFFFFF, s28;
	s26 =	smov.u32 s25  }
.LBB2_6:
0x63: {  	p0 =	sne.s32 s28, $0x1;
	_ =	sdelay $0x3  }
0x64: {  	v0 =	vadd.f32 v1, v0;
	_ =	sdelay $0x1  }
0x65: {  	[tilespmem:s25+$0xFFFFFFE0] =	vst v0;
	v0 =	vld [tilespmem:s25+$0xFFFFFFF0]  }
0x66: {  	v1 =	vld [tilespmem:s24+$0x10];
	_ =	sdelay $0x4  }
0x67: {  	v0 =	vadd.f32 v1, v0;
	_ =	sdelay $0x1  }
0x68: {  	[tilespmem:s25+$0xFFFFFFF0] =	vst v0;
	v0 =	vld [tilespmem:s25+$0x0]  }
0x69: {  	v1 =	vld [tilespmem:s24+$0x20];
	_ =	sdelay $0x4  }
0x6a: {  	v0 =	vadd.f32 v1, v0;
	_ =	sdelay $0x1  }
0x6b: {  	[tilespmem:s25+$0x0] =	vst v0;
	v0 =	vld [tilespmem:s25+$0x10]  }
0x6c: {  	v1 =	vld [tilespmem:s24+$0x30];
	_ =	sdelay $0x3  }
.Ltmp8:
0x6d: {  	(pc) =	sbr.rel @p0 .LBB2_6-.Ltmp8, $4  }
0x6e: {  	v1 =	vadd.f32 v1, v0  }
0x6f: {  	s25 =	sadd.s32 $0x80, s25  }
0x70: {  	s24 =	sadd.s32 $0x80, s24;
	v0 =	vld [tilespmem:s25+$0xFFFFFFE0];
	[tilespmem:s26+$0x10] =	vst v1;
	s26 =	smov.u32 s25  }
0x71: {  	s28 =	sadd.s32 $0xFFFFFFFF, s28;
	v1 =	vld [tilespmem:s24+$0x0]  }
.Ltmp9:
0x72: {  	_ = 	snop;
	(pc) =	sbr.rel .LBB2_7-.Ltmp9, $1  }
0x73: {  	_ =	sdelay $0x3  }
.LBB2_10:
0x74: {  	_ =	sfence.sel $0x180000  }
0x75: {  	[bflag:$0x0] =	sbarrier.arrive $0xFFFF  }
0x76: {  	_ =	strace $0x90000047  }
0x77: {  	[bflag:$0x2] =	sbarrier.arrive $0xFFFF  }
0x78: {  	p0 =	sne.s32 s3, $0x0;
	s0 =	rddreg [dreg:$0x2]  }
0x79: {  	s0 =	sadd.s32 @!p0 $0x100000, s0  }
0x7a: {  	[sflag:s0] =	ssyncadd.tile.s32 @!p0 $0x1;
	_ =	shalt  }
.Lfunc_end2:
_tile_overlayer_lowered:
.L_overlay_start_2:
0x7b: {  	(tag) =	ssettag $0x2  }
0x7c: {  	s0 =	rddreg [dreg:$0x0];
	s2 =	stileid.u32  }
0x7d: {  	s1 =	rddreg [dreg:$0x1];
	p0 =	sne.s32 s2, $0x0  }
0x7e: {  	s3 =	rddreg [dreg:$0x2];
	[bflag:$0x3] =	sbarrier.arrive $0xFFFF;
	s2 =	simm.s32 @!p0 $0x1C02  }
0x7f: {  	[timem:s3], [sflag:s2] =	dma.local @!p0 [hbm:s0], s1  }
0x80: {  	s0 =	simm.s32 @!p0 $0x2  }
0x81: {  	_ =	swait.ge @!p0 [sflag:s0], s1  }
0x82: {  	s1 =	ssub.s32 @!p0 $0x0, s1;
	[sflag:s0] =	ssyncset.done @!p0 $0x0  }
0x83: {  	[sflag:s0] =	ssyncadd.s32 @!p0 s1  }
0x84: {  	[bflag:$0x3] =	sbarrier.arrive $0xFFFF  }
0x85: {  	_ =	shalt  }

// kernel: sparse-core-data-format-call.cloned.1.call-start
scs
called_computation_lowered:
.L_overlay_start_0:
0x0: {  	s2 =	sld [smem:$0x3FD9]  }
0x1: {  	s3 =	sld [smem:$0x3FFE];
	_ =	sdelay $0x1  }
0x2: {  	s1 =	srdreg.scid  }
0x3: {  	s0 =	sand.u32 $0x1, s1  }
0x4: {  	s18 =	sshll.u32 s0, $0xA;
	s2 =	sadd.s32 s3, s2  }
0x5: {  	s2 =	sadd.s32 s2, s18  }
0x6: {  	[smem:$0x3FC5] =	sst s2  }
0x7: {  	_ = 	snop  }
0x8: {  	s2 =	sld [smem:$0x3FD0];
	(tm) =	ssettm $0x1  }
0x9: {  	s19 =	sld [smem:$0x3FFB];
	_ =	sdelay $0x3  }
0xa: {  	_ =	strace s19  }
0xb: {  	s3 =	sld [smem:$0x3FFC];
	_ =	sdelay $0x3  }
0xc: {  	_ =	strace s3  }
0xd: {  	s3 =	sld [smem:$0x3FFD];
	_ =	sdelay $0x3  }
0xe: {  	_ =	strace s3  }
0xf: {  	_ =	strace $0x8FFFFFFF  }
0x10: {  	s20 =	sld [smem:$0x3FDB];
	_ =	sdelay $0x1  }
0x11: {  	s4 =	simm.s32 $_scs_section_size  }
0x12: {  	s5 =	simm.s32 $_size__tile_overlayer_lowered;
	s6 =	simm.s32 $_tile_overlayer_lowered  }
0x13: {  	s23 =	simm.s32 $0x1BFF;
	s22 =	sshll.u32 s6, $0x1;
	s3 =	sadd.s32 s4, s20  }
0x14: {  	s7 =	simm.s32 $0x0;
	s21 =	sshll.u32 s5, $0x1;
	s5 =	sadd.s32 s22, s3  }
0x15: {  	[timem:s7], [sflag:s23] =	dma.local [hbm:s5], s21  }
0x16: {  	_ =	swait.ge [sflag:s23], s21  }
0x17: {  	s4 =	ssub.s32 $0x0, s21;
	[sflag:s23] =	ssyncset.done $0x0  }
0x18: {  	[sflag:s23] =	ssyncadd.s32 s4;
	_ =	sdelay $0x1  }
0x19: {  	s24 =	simm.s32 $0x1B8B  }
0x1a: {  	_ =	swait.ge [sflag:s24], $0x1  }
0x1b: {  	[sflag:s24] =	ssyncset.done $0x0  }
0x1c: {  	s26 =	simm.s32 $0x1B8E;
	s25 =	sld [smem:$0x3FFE];
	[sflag:s24] =	ssyncadd.s32 $0xFFFFFFFF  }
0x1d: {  	s27 =	simm.s32 $execute0_lowered;
	[smem:$0x3FD2] =	sst s26  }
0x1e: {  	s5 =	sshll.u32 s27, $0x1;
	_ =	strace $0x80000049;
	[dreg:$0x1] =	wrdreg $0xFFFFFFFF  }
0x1f: {  	s28 =	simm.s32 $_size_execute0_lowered;
	s3 =	sadd.s32 s3, s5;
	[dreg:$0x0] =	wrdreg $0x0  }
0x20: {  	s5 =	sshll.u32 s28, $0x1;
	[dreg:$0x2] =	wrdreg s3  }
0x21: {  	[dreg:$0x3] =	wrdreg s5  }
0x22: {  	[dreg:$0x4] =	wrdreg $0xC0  }
0x23: {  	_ =	task [dreg:s7], $0x5FFFF  }
0x24: {  	[dreg:$0x1] =	wrdreg $0xFFFFFFFF  }
0x25: {  	[dreg:$0x0] =	wrdreg $0x60  }
0x26: {  	[dreg:$0x2] =	wrdreg s25  }
0x27: {  	[dreg:$0x3] =	wrdreg s2  }
0x28: {  	[dreg:$0x4] =	wrdreg $0x9  }
0x29: {  	_ =	task.clear_ibuf [dreg:s7], $0x5FFFF;
	_ =	strace $0x90000049  }
0x2a: {  	s29 =	simm.s32 $0x9;
	_ =	strace $0x8000004B  }
0x2b: {  	_ =	swait.ge [sflag:s29], $0x1  }
0x2c: {  	[sflag:s29] =	ssyncadd.s32 $0xFFFFFFFF  }
0x2d: {  	_ =	strace $0x9000004B  }
0x2e: {  	_ =	sfence  }
0x2f: {  	s30 =	sld [smem:$0x0];
	_ =	sdelay $0x2  }
0x30: {  	s31 =	sshll.u32 s1, $0xD;
	s1 =	sshrl.u32 s1, $0x2  }
0x31: {  	s3 =	sand.u32 $0x4000, s31;
	s1 =	sadd.s32 s1, s30  }
0x32: {  	s0 =	sor.u32 s3, s0;
	s1 =	sshll.u32 s1, $0x11  }
0x33: {  	s0 =	sor.u32 s1, s0  }
0x34: {  	s0 =	sadd.s32 $0x8F2B, s0  }
0x35: {  	[sflag:s0] =	ssyncadd.remote.s32 $0x1  }
0x36: {  	_ =	sfence.sel $0xFFFF  }
0x37: {  	[dreg:$0x0] =	wrdreg $0xFFFFFFFF;
	(pc) =	sbr.abs _section_cstart, $3  }
0x38: {  	[dreg:$0x1] =	wrdreg $0xFFFFFFFF  }
0x39: {  	_ =	task.clear_ibuf [dreg:s7], $0x2FFFF;
	_ =	strace $0x9FFFFFFF  }
0x3a: {  	(tm) =	ssettm $0x7FFFFFFF  }
0x3b: {  	_ =	shalt  }
tec
execute0_lowered:
.L_overlay_start_1:
0x0: {  	(tag) =	ssettag $0x1  }
0x1: {  	s0 =	stileid.u32;
	s6 =	rddreg [dreg:$0x0]  }
0x2: {  	s2 =	rddreg [dreg:$0x1];
	s5 =	srdreg.scid  }
0x3: {  	s31 =	simm.s32 $0x2;
	s13 =	simm.s32 $0x0;
	s1 =	sshll.u32 s0, $0x7  }
0x4: {  	s14 =	simm.s32 $0x0;
	s12 =	simm.s32 $0x0;
	s3 =	sand.u32 $0x380, s1  }
0x5: {  	s5 =	sshll.u32 s5, $0x4;
	s6 =	sadd.s32 $0xC00, s6;
	s4 =	ssub.s32 $0x400, s3  }
0x6: {  	s1 =	rddreg [dreg:$0x2];
	_ =	strace $0x8000004A;
	s7 =	sand.u32 $0x380, s4  }
0x7: {  	s5 =	sand.u32 $0x10, s5;
	p0 =	sne.s32 s7, $0x0;
	s7 =	simm.s32 $0x1  }
.Ltmp0:
0x8: {  	s8 =	sshrl.u32 s4, $0xA;
	s7 =	simm.s32 @!p0 $0x0;
	(pc) =	sbr.rel .LBB1_1-.Ltmp0, $4  }
0x9: {  	s9 =	sor.u32 s0, s5;
	s4 =	simm.s32 $0x1;
	s30 =	sadd.s32 s7, s8  }
0xa: {  	s11 =	smov.u32 s3;
	[sflag:s4] =	ssyncpa.u1 $0x0;
	s5 =	smul.u32 $0x32, s30  }
0xb: {  	[sflag:s31] =	ssyncpa.u1 $0x0;
	p0 =	por $0x0, $0x0;
	s7 =	sshrl.u32 s9, $0x3  }
0xc: {  	s9 =	simm.s32 $0x2000;
	s10 =	smov.u32 s7;
	s8 =	sor.u32 $0x1, s5  }
.LBB1_4:
0xd: {  	s17 =	sand.u32 $0x1F80, s14;
	s13 =	sshll.u32 s13, $0xD  }
0xe: {  	[tilespmem:s16+$0x810 ss:$0x81] =	vst.msk $0xffff, v2;
	s18 =	sshrl.u32 s14, $0x3;
	s31 =	sand.u32 $0x7, s14;
	s17 =	sadd.s32 s2, s17  }
0xf: {  	[tilespmem:s16+$0x1020 ss:$0x81] =	vst.msk $0xffff, v0;
	s18 =	sand.u32 $0xF, s18;
	s14 =	sshll.u32 s31, $0x12;
	s13 =	sadd.s32 s13, s17  }
0x10: {  	[tilespmem:s16+$0x0 ss:$0x81] =	vst.msk $0xffff, v1;
	s14 =	sor.u32 $0x400, s14;
	s13 =	sadd.s32 s18, s13  }
0x11: {  	[hbm4b:s13+s14] =	stream.strided.scatter [tilespmem:s15], [sflag:$0x2], $0x2000, s9, s14, $0x20;
	[tilespmem:$0x8080] =	vst v63  }
.LBB1_5:
0x12: {  	s15 =	sadd.s32 $0x4, s10  }
0x13: {  	s13 =	sadd.s32 $0x400, s11;
	s17 =	smov.u32 s11;
	p2 =	sgt.s32 s15, $0xC7  }
0x14: {  	s17 =	smov.u32 @p2 s13  }
0x15: {  	s15 =	smov.u32 @p2 s7;
	p2 =	sgt.s32 s17, $0x3FF  }
0x16: {  	s17 =	smov.u32 @p2 s3;
	p2 =	sne.s32 s12, s8  }
.Ltmp1:
0x17: {  	p1 =	slt.u32 s12, $0x2;
	(pc) =	sbr.rel @!p2 .LBB1_6-.Ltmp1, $4  }
0x18: {  	s16 =	simm.s32 @!p1 $0x2  }
0x19: {  	s14 =	smov.u32 s11;
	p0 =	por !p0, !p0;
	_ =	swait.ge @!p1 [sflag:s16], $0x2000  }
0x1a: {  	s13 =	smov.u32 s10;
	[sflag:s16] =	ssyncset.done @!p1 $0x0;
	s10 =	smov.u32 s15  }
0x1b: {  	s12 =	sadd.s32 $0x1, s12;
	[sflag:s16] =	ssyncadd.s32 @!p1 $0xFFFFE000;
	s11 =	smov.u32 s17  }
.LBB1_1:
0x1c: {  	p1 =	sge.u32 s12, s5  }
0x1d: {  	s15 =	sand.u32 @!p1 $0x1FFFFFF, s10  }
0x1e: {  	s16 =	smulhi.u32 @!p1 $0x147AE15, s15;
	_ =	sdelay $0x1  }
0x1f: {  	s16 =	smul.u32 @!p1 $0xC8, s16  }
0x20: {  	s17 =	sxor.u32 @!p1 $0xFFFFFFFF, s12;
	s18 =	smul.u32 @!p1 $0xC80, s11  }
0x21: {  	s31 =	sadd.s32 $0xFFFFFFFF, s12;
	s17 =	sshll.u32 @!p1 s17, $0xD;
	s15 =	ssub.s32 @!p1 s15, s16  }
0x22: {  	s16 =	sand.u32 @!p1 $0x2000, s17;
	s17 =	sadd.s32 @!p1 s6, s18;
	s15 =	sshll.u32 @!p1 s15, $0x4  }
0x23: {  	s18 =	simm.s32 @!p1 $0x6400;
	s15 =	sadd.s32 @!p1 s15, s17;
	s17 =	simm.s32 @!p1 $0x40  }
0x24: {  	[tilespmem:s16], [sflag:$0x1] =	stream.strided.gather @!p1 [hbm4b:s15+s17], $0x2000, s18, s17, $0x38;
	[tilespmem:$0x8080] =	vst v63  }
0x25: {  	p1 =	sge.u32 s31, s5  }
.Ltmp2:
0x26: {  	_ = 	snop;
	(pc) =	sbr.rel @p1 .LBB1_5-.Ltmp2, $1  }
0x27: {  	_ =	sdelay $0x3  }
0x28: {  	s15 =	simm.s32 $0x1  }
0x29: {  	_ =	swait.ge [sflag:s4], $0x2000;
	s15 =	simm.s32 @!p0 $0x0  }
0x2a: {  	[sflag:s4] =	ssyncset.done $0x0;
	s16 =	sshll.u32 s15, $0xD  }
0x2b: {  	[sflag:s4] =	ssyncadd.s32 $0xFFFFE000;
	s19 =	sor.u32 $0x20, s16  }
0x2c: {  	s15 =	smul.u32 $0x8100, s15;
	v3 =	vld [tilespmem:s19+$0x10]  }
0x2d: {  	s30 =	sand.u32 $0x1, s12;
	v2 =	vld [tilespmem:s19+$0xFFFFFFF0]  }
0x2e: {  	s16 =	smul.u32 $0x8100, s30;
	s15 =	sshrl.u32 s15, $0x2;
	v0 =	vld [tilespmem:s19+$0x0]  }
0x2f: {  	v1 =	vld [tilespmem:s19+$0xFFFFFFE0];
	s17 =	sor.u32 $0x4000, s15  }
0x30: {  	s31 =	sshrl.u32 s16, $0x2;
	s16 =	sadd.s32 $0x0, s17  }
0x31: {  	s18 =	simm.s32 $0x4;
	s19 =	sadd.s32 $0x40, s19;
	s15 =	sor.u32 $0x4000, s31;
	[tilespmem:s16+$0x1830 ss:$0x81] =	vst.msk $0xffff, v3  }
.LBB1_3:
0x32: {  	v3 =	vld [tilespmem:s19+$0x10];
	p1 =	sne.s32 s18, $0x1FC;
	[tilespmem:s16+$0x810 ss:$0x81] =	vst.msk $0xffff, v2;
	s20 =	smov.u32 s18;
	s18 =	sadd.s32 $0x4, s18  }
.Ltmp3:
0x33: {  	v2 =	vld [tilespmem:s19+$0xFFFFFFF0];
	[tilespmem:s16+$0x1020 ss:$0x81] =	vst.msk $0xffff, v0;
	(pc) =	sbr.rel @p1 .LBB1_3-.Ltmp3, $4  }
0x34: {  	v0 =	vld [tilespmem:s19+$0x0];
	[tilespmem:s16+$0x0 ss:$0x81] =	vst.msk $0xffff, v1  }
0x35: {  	s16 =	sshra.s32 s20, $0x2;
	v1 =	vld [tilespmem:s19+$0xFFFFFFE0]  }
0x36: {  	s16 =	sadd.s32 s16, s17  }
0x37: {  	s19 =	sadd.s32 $0x40, s19;
	[tilespmem:s16+$0x1830 ss:$0x81] =	vst.msk $0xffff, v3  }
.Ltmp4:
0x38: {  	_ = 	snop;
	(pc) =	sbr.rel .LBB1_4-.Ltmp4, $1  }
0x39: {  	_ =	sdelay $0x3  }
.LBB1_6:
0x3a: {  	_ =	sfence.sel $0x180000  }
0x3b: {  	s2 =	simm.s32 $0x1;
	[bflag:$0x0] =	sbarrier.arrive $0xFFFF  }
0x3c: {  	s31 =	simm.s32 $0x2;
	[sflag:s2] =	ssyncpa.u1 $0x1  }
0x3d: {  	[sflag:s31] =	ssyncpa.u1 $0x1  }
0x3e: {  	p0 =	sne.s32 s0, $0x0;
	_ =	strace $0x9000004A  }
0x3f: {  	s0 =	sadd.s32 @!p0 $0x100000, s1;
	[bflag:$0x2] =	sbarrier.arrive $0xFFFF  }
0x40: {  	[sflag:s0] =	ssyncadd.tile.s32 @!p0 $0x1;
	_ =	shalt  }
.Lfunc_end1:
_tile_overlayer_lowered:
.L_overlay_start_2:
0x41: {  	(tag) =	ssettag $0x2  }
0x42: {  	s0 =	rddreg [dreg:$0x0];
	s2 =	stileid.u32  }
0x43: {  	s1 =	rddreg [dreg:$0x1];
	p0 =	sne.s32 s2, $0x0  }
0x44: {  	s3 =	rddreg [dreg:$0x2];
	[bflag:$0x3] =	sbarrier.arrive $0xFFFF;
	s2 =	simm.s32 @!p0 $0x1C01  }
0x45: {  	[timem:s3], [sflag:s2] =	dma.local @!p0 [hbm:s0], s1  }
0x46: {  	s0 =	simm.s32 @!p0 $0x1  }
0x47: {  	_ =	swait.ge @!p0 [sflag:s0], s1  }
0x48: {  	s1 =	ssub.s32 @!p0 $0x0, s1;
	[sflag:s0] =	ssyncset.done @!p0 $0x0  }
0x49: {  	[sflag:s0] =	ssyncadd.s32 @!p0 s1  }
0x4a: {  	[bflag:$0x3] =	sbarrier.arrive $0xFFFF  }
0x4b: {  	_ =	shalt  }

</sc_bundles>
